<compile_context>
chip_gen: v7x
topology: tpu7x:2x2x1
jax: 0.10.2.dev20260603
libtpu: 0.0.44.dev20260713+nightly
codegen_flags: <defaults>
</compile_context>

<pallas_src>
import functools

import jax
import jax.numpy as jnp
from jax import lax
from jax.experimental import pallas as pl
from jax.experimental.pallas import tpu as pltpu
from jax.experimental.pallas import tpu_sc as plsc

_SUB = 128
_NB = 4


@functools.partial(jax.jit, static_argnames=("hist", "hist_pad"))
def _sc_embed(idx_grouped, table_padded, hist, hist_pad):
    nw, sub, idx_w = idx_grouped.shape
    two_d = table_padded.shape[1]
    info = plsc.get_sparse_core_info()
    nc = info.num_cores

    mesh = plsc.VectorSubcoreMesh(core_axis_name="c", subcore_axis_name="s")

    @functools.partial(
        pl.kernel,
        out_type=jax.ShapeDtypeStruct((nw * sub * hist_pad, two_d), jnp.float32),
        mesh=mesh,
        scratch_types=[
            pltpu.VMEM((sub, idx_w), jnp.int32),
            [pltpu.VMEM((hist_pad, two_d), jnp.float32)] * _NB,
            [pltpu.SemaphoreType.DMA] * _NB,
            [pltpu.SemaphoreType.DMA] * _NB,
        ],
        compiler_params=pltpu.CompilerParams(
            use_tc_tiling_on_sc=True, needs_layout_passes=False
        ),
    )
    def body(idx_hbm, tbl_hbm, out_hbm, idx_v, stages, gsems, wsems):
        wid = lax.axis_index("s") * nc + lax.axis_index("c")
        pltpu.sync_copy(idx_hbm.at[wid], idx_v)

        def fire(i, b):
            pltpu.async_copy(
                tbl_hbm.at[idx_v.at[i, pl.ds(0, hist_pad)]], stages[b], gsems[b]
            )

        def drain(i, b):
            pltpu.make_async_copy(
                tbl_hbm.at[idx_v.at[i, pl.ds(0, hist_pad)]], stages[b], gsems[b]
            ).wait()
            pltpu.async_copy(
                stages[b],
                out_hbm.at[pl.ds((wid * sub + i) * hist_pad, hist_pad)],
                wsems[b],
            )

        def wait_write(i, b):
            pltpu.make_async_copy(
                stages[b],
                out_hbm.at[pl.ds((wid * sub + i) * hist_pad, hist_pad)],
                wsems[b],
            ).wait()

        for b in range(_NB):
            fire(b, b)

        def step(t, carry):
            for b in range(_NB):
                i = t * _NB + b
                drain(i, b)
                nxt = i + _NB

                @pl.when(nxt < sub)
                def _refill():
                    wait_write(i, b)
                    fire(nxt, b)

            return carry

        lax.fori_loop(0, sub // _NB, step, 0)
        for b in range(_NB):
            wait_write(sub - _NB + b, b)

    return body(idx_grouped, table_padded)


def kernel(input_ids, embedding_weight):
    batch, hist = input_ids.shape
    vocab, embed_dim = embedding_weight.shape
    hist_pad = -(-hist // 8) * 8

    info = plsc.get_sparse_core_info()
    nw = info.num_cores * info.num_subcores

    table_padded = jnp.pad(embedding_weight, ((0, 0), (0, 128 - embed_dim)))
    idx_grouped = jnp.pad(
        input_ids.astype(jnp.int32).reshape(nw, batch // nw, hist),
        ((0, 0), (0, 0), (0, 128 - hist)),
    )
    out = _sc_embed(idx_grouped, table_padded, hist, hist_pad)
    out3 = out.reshape(batch, hist_pad, 2 * embed_dim)
    return out3[:, :hist, :embed_dim]

# --- scband reference (transcript-rebuilt; emitter-appended) ---
"""Pipeline reference for scband-word-embedding-model-81844896792919 (READ-ONLY COPY).

The authoritative reference and input builder live on the scoring server;
editing this copy changes nothing except your own understanding.
"""

import jax, jax.numpy as jnp
import numpy as np

VOCAB_SIZE = 1000000
EMBED_DIM = 64
BATCH = 4096
HIST_LEN = 50

def setup_inputs(seed: int = 0) -> dict:
    key = jax.random.key(seed)
    k_idx, k_tbl = jax.random.split(key)
    input_ids = jax.random.randint(k_idx, (BATCH, HIST_LEN), 0, VOCAB_SIZE, dtype=jnp.int64 if jax.config.jax_enable_x64 else jnp.int32)
    embedding_weight = jax.random.normal(k_tbl, (VOCAB_SIZE, EMBED_DIM), dtype=jnp.float32)
    return {"input_ids": input_ids, "embedding_weight": embedding_weight}

def reference(input_ids, embedding_weight):
    # nn.Embedding forward: gather rows of the table by token id
    return jnp.take(embedding_weight, input_ids, axis=0)

if __name__ == "__main__":
    import jax
    _d = setup_inputs()
    print(jax.jit(kernel)(*tuple(_d.values())))

</pallas_src>

<mosaic_0001>
#map = affine_map<(d0, d1) -> (0, 0, 0)>
#map1 = affine_map<(d0, d1) -> (0, 0)>
module attributes {stable_mosaic.version = 14 : i64} {
  func.func @body(%arg0: i32, %arg1: i32, %arg2: memref<32x128x128xi32, #tpu.memory_space<hbm>>, %arg3: memref<1000000x128xf32, #tpu.memory_space<hbm>>, %arg4: memref<229376x128xf32, #tpu.memory_space<hbm>>, %arg5: memref<128x128xi32, #tpu.memory_space<vmem>>, %arg6: memref<56x128xf32, #tpu.memory_space<vmem>>, %arg7: memref<56x128xf32, #tpu.memory_space<vmem>>, %arg8: memref<56x128xf32, #tpu.memory_space<vmem>>, %arg9: memref<56x128xf32, #tpu.memory_space<vmem>>, %arg10: memref<!tpu.dma_semaphore, #tpu.memory_space<semaphore_mem>>, %arg11: memref<!tpu.dma_semaphore, #tpu.memory_space<semaphore_mem>>, %arg12: memref<!tpu.dma_semaphore, #tpu.memory_space<semaphore_mem>>, %arg13: memref<!tpu.dma_semaphore, #tpu.memory_space<semaphore_mem>>, %arg14: memref<!tpu.dma_semaphore, #tpu.memory_space<semaphore_mem>>, %arg15: memref<!tpu.dma_semaphore, #tpu.memory_space<semaphore_mem>>, %arg16: memref<!tpu.dma_semaphore, #tpu.memory_space<semaphore_mem>>, %arg17: memref<!tpu.dma_semaphore, #tpu.memory_space<semaphore_mem>>) attributes {dimension_semantics = [#tpu.dimension_semantics<core_parallel>, #tpu.dimension_semantics<subcore_parallel>], iteration_bounds = array<i64: 2, 16>, scalar_prefetch = 0 : i64, scratch_operands = 13 : i64, tpu.core_type = #tpu.core_type<sc_vector_subcore>, window_params = [{transform_indices = #map}, {transform_indices = #map1}, {transform_indices = #map1}]} {
    %mul3A = arith.constant 2 : i32
    %mul3A_0 = arith.muli %arg1, %mul3A : i32
    %add3A = arith.addi %mul3A_0, %arg0 : i32
    "tpu.region"() ({
      %run_scoped3A = tpu.sem_alloc : memref<!tpu.dma_semaphore, #tpu.memory_space<semaphore_mem>>
      %dma_start3A_72 = arith.constant 0 : i32
      %dma_start3A_73 = arith.constant 0 : i32
      %dma_start3A_74 = tpu.memref_slice %arg2[%add3A, %dma_start3A_72, %dma_start3A_73] : memref<32x128x128xi32, #tpu.memory_space<hbm>> -> memref<1x128x128xi32, #tpu.memory_space<hbm>>
      %dma_start3A_75 = tpu.memref_squeeze %dma_start3A_74 : memref<1x128x128xi32, #tpu.memory_space<hbm>> -> memref<128x128xi32, #tpu.memory_space<hbm>>
      %dma_start3A_76 = arith.constant 0 : i32
      %dma_start3A_77 = arith.constant 0 : i32
      %dma_start3A_78 = tpu.memref_slice %arg2[%add3A, %dma_start3A_76, %dma_start3A_77] : memref<32x128x128xi32, #tpu.memory_space<hbm>> -> memref<1x128x128xi32, #tpu.memory_space<hbm>>
      %dma_start3A_79 = tpu.memref_squeeze %dma_start3A_78 : memref<1x128x128xi32, #tpu.memory_space<hbm>> -> memref<128x128xi32, #tpu.memory_space<hbm>>
      tpu.enqueue_dma source(%dma_start3A_79 : memref<128x128xi32, #tpu.memory_space<hbm>>) target(%arg5 : memref<128x128xi32, #tpu.memory_space<vmem>>) target_semaphore(%run_scoped3A : memref<!tpu.dma_semaphore, #tpu.memory_space<semaphore_mem>>)
      %dma_wait3A_80 = arith.constant 0 : i32
      %dma_wait3A_81 = arith.constant 0 : i32
      %dma_wait3A_82 = tpu.memref_slice %arg2[%add3A, %dma_wait3A_80, %dma_wait3A_81] : memref<32x128x128xi32, #tpu.memory_space<hbm>> -> memref<1x128x128xi32, #tpu.memory_space<hbm>>
      %dma_wait3A_83 = tpu.memref_squeeze %dma_wait3A_82 : memref<1x128x128xi32, #tpu.memory_space<hbm>> -> memref<128x128xi32, #tpu.memory_space<hbm>>
      %dma_wait3A_84 = arith.constant 0 : i32
      %dma_wait3A_85 = arith.constant 0 : i32
      %dma_wait3A_86 = tpu.memref_slice %arg2[%add3A, %dma_wait3A_84, %dma_wait3A_85] : memref<32x128x128xi32, #tpu.memory_space<hbm>> -> memref<1x128x128xi32, #tpu.memory_space<hbm>>
      %dma_wait3A_87 = tpu.memref_squeeze %dma_wait3A_86 : memref<1x128x128xi32, #tpu.memory_space<hbm>> -> memref<128x128xi32, #tpu.memory_space<hbm>>
      tpu.wait_dma2 semaphore(%run_scoped3A : memref<!tpu.dma_semaphore, #tpu.memory_space<semaphore_mem>>) src(%dma_wait3A_87 : memref<128x128xi32, #tpu.memory_space<hbm>>) dst(%arg5 : memref<128x128xi32, #tpu.memory_space<vmem>>)
      tpu.yield
    }) : () -> ()
    %dma_start3A = arith.constant 0 : i32
    %dma_start3A_1 = arith.constant 0 : i32
    %dma_start3A_2 = tpu.memref_slice %arg5[%dma_start3A, %dma_start3A_1] : memref<128x128xi32, #tpu.memory_space<vmem>> -> memref<1x56xi32, #tpu.memory_space<vmem>>
    %dma_start3A_3 = tpu.memref_squeeze %dma_start3A_2 : memref<1x56xi32, #tpu.memory_space<vmem>> -> memref<56xi32, #tpu.memory_space<vmem>>
    %dma_start3A_4 = arith.constant 0 : i32
    %dma_start3A_5 = arith.constant 0 : i32
    %dma_start3A_6 = tpu.memref_slice %arg3[%dma_start3A_4, %dma_start3A_5] : memref<1000000x128xf32, #tpu.memory_space<hbm>> -> memref<1000000x128xf32, #tpu.memory_space<hbm>>
    tpu.enqueue_indirect_dma source(%dma_start3A_6 : memref<1000000x128xf32, #tpu.memory_space<hbm>>) target(%arg6 : memref<56x128xf32, #tpu.memory_space<vmem>>) offsets(%dma_start3A_3 : memref<56xi32, #tpu.memory_space<vmem>>) semaphore(%arg10 : memref<!tpu.dma_semaphore, #tpu.memory_space<semaphore_mem>>)
    %dma_start3A_7 = arith.constant 1 : i32
    %dma_start3A_8 = arith.constant 0 : i32
    %dma_start3A_9 = tpu.memref_slice %arg5[%dma_start3A_7, %dma_start3A_8] : memref<128x128xi32, #tpu.memory_space<vmem>> -> memref<1x56xi32, #tpu.memory_space<vmem>>
    %dma_start3A_10 = tpu.memref_squeeze %dma_start3A_9 : memref<1x56xi32, #tpu.memory_space<vmem>> -> memref<56xi32, #tpu.memory_space<vmem>>
    %dma_start3A_11 = arith.constant 0 : i32
    %dma_start3A_12 = arith.constant 0 : i32
    %dma_start3A_13 = tpu.memref_slice %arg3[%dma_start3A_11, %dma_start3A_12] : memref<1000000x128xf32, #tpu.memory_space<hbm>> -> memref<1000000x128xf32, #tpu.memory_space<hbm>>
    tpu.enqueue_indirect_dma source(%dma_start3A_13 : memref<1000000x128xf32, #tpu.memory_space<hbm>>) target(%arg7 : memref<56x128xf32, #tpu.memory_space<vmem>>) offsets(%dma_start3A_10 : memref<56xi32, #tpu.memory_space<vmem>>) semaphore(%arg11 : memref<!tpu.dma_semaphore, #tpu.memory_space<semaphore_mem>>)
    %dma_start3A_14 = arith.constant 2 : i32
    %dma_start3A_15 = arith.constant 0 : i32
    %dma_start3A_16 = tpu.memref_slice %arg5[%dma_start3A_14, %dma_start3A_15] : memref<128x128xi32, #tpu.memory_space<vmem>> -> memref<1x56xi32, #tpu.memory_space<vmem>>
    %dma_start3A_17 = tpu.memref_squeeze %dma_start3A_16 : memref<1x56xi32, #tpu.memory_space<vmem>> -> memref<56xi32, #tpu.memory_space<vmem>>
    %dma_start3A_18 = arith.constant 0 : i32
    %dma_start3A_19 = arith.constant 0 : i32
    %dma_start3A_20 = tpu.memref_slice %arg3[%dma_start3A_18, %dma_start3A_19] : memref<1000000x128xf32, #tpu.memory_space<hbm>> -> memref<1000000x128xf32, #tpu.memory_space<hbm>>
    tpu.enqueue_indirect_dma source(%dma_start3A_20 : memref<1000000x128xf32, #tpu.memory_space<hbm>>) target(%arg8 : memref<56x128xf32, #tpu.memory_space<vmem>>) offsets(%dma_start3A_17 : memref<56xi32, #tpu.memory_space<vmem>>) semaphore(%arg12 : memref<!tpu.dma_semaphore, #tpu.memory_space<semaphore_mem>>)
    %dma_start3A_21 = arith.constant 3 : i32
    %dma_start3A_22 = arith.constant 0 : i32
    %dma_start3A_23 = tpu.memref_slice %arg5[%dma_start3A_21, %dma_start3A_22] : memref<128x128xi32, #tpu.memory_space<vmem>> -> memref<1x56xi32, #tpu.memory_space<vmem>>
    %dma_start3A_24 = tpu.memref_squeeze %dma_start3A_23 : memref<1x56xi32, #tpu.memory_space<vmem>> -> memref<56xi32, #tpu.memory_space<vmem>>
    %dma_start3A_25 = arith.constant 0 : i32
    %dma_start3A_26 = arith.constant 0 : i32
    %dma_start3A_27 = tpu.memref_slice %arg3[%dma_start3A_25, %dma_start3A_26] : memref<1000000x128xf32, #tpu.memory_space<hbm>> -> memref<1000000x128xf32, #tpu.memory_space<hbm>>
    tpu.enqueue_indirect_dma source(%dma_start3A_27 : memref<1000000x128xf32, #tpu.memory_space<hbm>>) target(%arg9 : memref<56x128xf32, #tpu.memory_space<vmem>>) offsets(%dma_start3A_24 : memref<56xi32, #tpu.memory_space<vmem>>) semaphore(%arg13 : memref<!tpu.dma_semaphore, #tpu.memory_space<semaphore_mem>>)
    %scan3A = arith.constant 0 : i32
    %scan3A_28 = arith.constant 0 : i32
    %scan3A_29 = arith.constant 32 : i32
    %scan3A_30 = arith.addi %scan3A_28, %scan3A_29 : i32
    %scan3A_31 = arith.constant 1 : i32
    scf.for %scan3A_72 = %scan3A_28 to %scan3A_30 step %scan3A_31  : i32 {
      %mul3A_73 = arith.constant 4 : i32
      %mul3A_74 = arith.muli %scan3A_72, %mul3A_73 : i32
      %add3A_75 = arith.constant 0 : i32
      %add3A_76 = arith.addi %mul3A_74, %add3A_75 : i32
      %dma_wait3A_77 = arith.constant 0 : i32
      %dma_wait3A_78 = tpu.memref_slice %arg5[%add3A_76, %dma_wait3A_77] : memref<128x128xi32, #tpu.memory_space<vmem>> -> memref<1x56xi32, #tpu.memory_space<vmem>>
      %dma_wait3A_79 = tpu.memref_squeeze %dma_wait3A_78 : memref<1x56xi32, #tpu.memory_space<vmem>> -> memref<56xi32, #tpu.memory_space<vmem>>
      %dma_wait3A_80 = arith.constant 0 : i32
      %dma_wait3A_81 = arith.constant 0 : i32
      %dma_wait3A_82 = tpu.memref_slice %arg3[%dma_wait3A_80, %dma_wait3A_81] : memref<1000000x128xf32, #tpu.memory_space<hbm>> -> memref<1000000x128xf32, #tpu.memory_space<hbm>>
      tpu.wait_indirect_dma semaphore(%arg10 : memref<!tpu.dma_semaphore, #tpu.memory_space<semaphore_mem>>) src(%dma_wait3A_82 : memref<1000000x128xf32, #tpu.memory_space<hbm>>) dst(%arg6 : memref<56x128xf32, #tpu.memory_space<vmem>>)
      %mul3A_83 = arith.constant 128 : i32
      %mul3A_84 = arith.muli %add3A, %mul3A_83 : i32
      %add3A_85 = arith.addi %mul3A_84, %add3A_76 : i32
      %mul3A_86 = arith.constant 56 : i32
      %mul3A_87 = arith.muli %add3A_85, %mul3A_86 : i32
      %dma_start3A_88 = arith.constant 0 : i32
      %dma_start3A_89 = tpu.memref_slice %arg4[%mul3A_87, %dma_start3A_88] : memref<229376x128xf32, #tpu.memory_space<hbm>> -> memref<56x128xf32, #tpu.memory_space<hbm>>
      %dma_start3A_90 = arith.constant 0 : i32
      %dma_start3A_91 = tpu.memref_slice %arg4[%mul3A_87, %dma_start3A_90] : memref<229376x128xf32, #tpu.memory_space<hbm>> -> memref<56x128xf32, #tpu.memory_space<hbm>>
      tpu.enqueue_dma source(%arg6 : memref<56x128xf32, #tpu.memory_space<vmem>>) target(%dma_start3A_91 : memref<56x128xf32, #tpu.memory_space<hbm>>) target_semaphore(%arg14 : memref<!tpu.dma_semaphore, #tpu.memory_space<semaphore_mem>>)
      %add3A_92 = arith.constant 4 : i32
      %add3A_93 = arith.addi %add3A_76, %add3A_92 : i32
      %lt3A = arith.constant 128 : i32
      %lt3A_94 = arith.cmpi slt, %add3A_93, %lt3A : i32
      %convert_element_type3A = arith.extui %lt3A_94 : i1 to i32
      %cond3A = arith.constant 0 : i32
      %cond3A_95 = arith.cmpi ne, %convert_element_type3A, %cond3A : i32
      scf.if %cond3A_95 {
        %mul3A_174 = arith.constant 128 : i32
        %mul3A_175 = arith.muli %add3A, %mul3A_174 : i32
        %add3A_176 = arith.addi %mul3A_175, %add3A_76 : i32
        %mul3A_177 = arith.constant 56 : i32
        %mul3A_178 = arith.muli %add3A_176, %mul3A_177 : i32
        %dma_wait3A_179 = arith.constant 0 : i32
        %dma_wait3A_180 = tpu.memref_slice %arg4[%mul3A_178, %dma_wait3A_179] : memref<229376x128xf32, #tpu.memory_space<hbm>> -> memref<56x128xf32, #tpu.memory_space<hbm>>
        %dma_wait3A_181 = arith.constant 0 : i32
        %dma_wait3A_182 = tpu.memref_slice %arg4[%mul3A_178, %dma_wait3A_181] : memref<229376x128xf32, #tpu.memory_space<hbm>> -> memref<56x128xf32, #tpu.memory_space<hbm>>
        tpu.wait_dma2 semaphore(%arg14 : memref<!tpu.dma_semaphore, #tpu.memory_space<semaphore_mem>>) src(%arg6 : memref<56x128xf32, #tpu.memory_space<vmem>>) dst(%dma_wait3A_182 : memref<56x128xf32, #tpu.memory_space<hbm>>)
        %dma_start3A_183 = arith.constant 0 : i32
        %dma_start3A_184 = tpu.memref_slice %arg5[%add3A_93, %dma_start3A_183] : memref<128x128xi32, #tpu.memory_space<vmem>> -> memref<1x56xi32, #tpu.memory_space<vmem>>
        %dma_start3A_185 = tpu.memref_squeeze %dma_start3A_184 : memref<1x56xi32, #tpu.memory_space<vmem>> -> memref<56xi32, #tpu.memory_space<vmem>>
        %dma_start3A_186 = arith.constant 0 : i32
        %dma_start3A_187 = arith.constant 0 : i32
        %dma_start3A_188 = tpu.memref_slice %arg3[%dma_start3A_186, %dma_start3A_187] : memref<1000000x128xf32, #tpu.memory_space<hbm>> -> memref<1000000x128xf32, #tpu.memory_space<hbm>>
        tpu.enqueue_indirect_dma source(%dma_start3A_188 : memref<1000000x128xf32, #tpu.memory_space<hbm>>) target(%arg6 : memref<56x128xf32, #tpu.memory_space<vmem>>) offsets(%dma_start3A_185 : memref<56xi32, #tpu.memory_space<vmem>>) semaphore(%arg10 : memref<!tpu.dma_semaphore, #tpu.memory_space<semaphore_mem>>)
      } else {
      }
      %mul3A_96 = arith.constant 4 : i32
      %mul3A_97 = arith.muli %scan3A_72, %mul3A_96 : i32
      %add3A_98 = arith.constant 1 : i32
      %add3A_99 = arith.addi %mul3A_97, %add3A_98 : i32
      %dma_wait3A_100 = arith.constant 0 : i32
      %dma_wait3A_101 = tpu.memref_slice %arg5[%add3A_99, %dma_wait3A_100] : memref<128x128xi32, #tpu.memory_space<vmem>> -> memref<1x56xi32, #tpu.memory_space<vmem>>
      %dma_wait3A_102 = tpu.memref_squeeze %dma_wait3A_101 : memref<1x56xi32, #tpu.memory_space<vmem>> -> memref<56xi32, #tpu.memory_space<vmem>>
      %dma_wait3A_103 = arith.constant 0 : i32
      %dma_wait3A_104 = arith.constant 0 : i32
      %dma_wait3A_105 = tpu.memref_slice %arg3[%dma_wait3A_103, %dma_wait3A_104] : memref<1000000x128xf32, #tpu.memory_space<hbm>> -> memref<1000000x128xf32, #tpu.memory_space<hbm>>
      tpu.wait_indirect_dma semaphore(%arg11 : memref<!tpu.dma_semaphore, #tpu.memory_space<semaphore_mem>>) src(%dma_wait3A_105 : memref<1000000x128xf32, #tpu.memory_space<hbm>>) dst(%arg7 : memref<56x128xf32, #tpu.memory_space<vmem>>)
      %mul3A_106 = arith.constant 128 : i32
      %mul3A_107 = arith.muli %add3A, %mul3A_106 : i32
      %add3A_108 = arith.addi %mul3A_107, %add3A_99 : i32
      %mul3A_109 = arith.constant 56 : i32
      %mul3A_110 = arith.muli %add3A_108, %mul3A_109 : i32
      %dma_start3A_111 = arith.constant 0 : i32
      %dma_start3A_112 = tpu.memref_slice %arg4[%mul3A_110, %dma_start3A_111] : memref<229376x128xf32, #tpu.memory_space<hbm>> -> memref<56x128xf32, #tpu.memory_space<hbm>>
      %dma_start3A_113 = arith.constant 0 : i32
      %dma_start3A_114 = tpu.memref_slice %arg4[%mul3A_110, %dma_start3A_113] : memref<229376x128xf32, #tpu.memory_space<hbm>> -> memref<56x128xf32, #tpu.memory_space<hbm>>
      tpu.enqueue_dma source(%arg7 : memref<56x128xf32, #tpu.memory_space<vmem>>) target(%dma_start3A_114 : memref<56x128xf32, #tpu.memory_space<hbm>>) target_semaphore(%arg15 : memref<!tpu.dma_semaphore, #tpu.memory_space<semaphore_mem>>)
      %add3A_115 = arith.constant 4 : i32
      %add3A_116 = arith.addi %add3A_99, %add3A_115 : i32
      %lt3A_117 = arith.constant 128 : i32
      %lt3A_118 = arith.cmpi slt, %add3A_116, %lt3A_117 : i32
      %convert_element_type3A_119 = arith.extui %lt3A_118 : i1 to i32
      %cond3A_120 = arith.constant 0 : i32
      %cond3A_121 = arith.cmpi ne, %convert_element_type3A_119, %cond3A_120 : i32
      scf.if %cond3A_121 {
        %mul3A_174 = arith.constant 128 : i32
        %mul3A_175 = arith.muli %add3A, %mul3A_174 : i32
        %add3A_176 = arith.addi %mul3A_175, %add3A_99 : i32
        %mul3A_177 = arith.constant 56 : i32
        %mul3A_178 = arith.muli %add3A_176, %mul3A_177 : i32
        %dma_wait3A_179 = arith.constant 0 : i32
        %dma_wait3A_180 = tpu.memref_slice %arg4[%mul3A_178, %dma_wait3A_179] : memref<229376x128xf32, #tpu.memory_space<hbm>> -> memref<56x128xf32, #tpu.memory_space<hbm>>
        %dma_wait3A_181 = arith.constant 0 : i32
        %dma_wait3A_182 = tpu.memref_slice %arg4[%mul3A_178, %dma_wait3A_181] : memref<229376x128xf32, #tpu.memory_space<hbm>> -> memref<56x128xf32, #tpu.memory_space<hbm>>
        tpu.wait_dma2 semaphore(%arg15 : memref<!tpu.dma_semaphore, #tpu.memory_space<semaphore_mem>>) src(%arg7 : memref<56x128xf32, #tpu.memory_space<vmem>>) dst(%dma_wait3A_182 : memref<56x128xf32, #tpu.memory_space<hbm>>)
        %dma_start3A_183 = arith.constant 0 : i32
        %dma_start3A_184 = tpu.memref_slice %arg5[%add3A_116, %dma_start3A_183] : memref<128x128xi32, #tpu.memory_space<vmem>> -> memref<1x56xi32, #tpu.memory_space<vmem>>
        %dma_start3A_185 = tpu.memref_squeeze %dma_start3A_184 : memref<1x56xi32, #tpu.memory_space<vmem>> -> memref<56xi32, #tpu.memory_space<vmem>>
        %dma_start3A_186 = arith.constant 0 : i32
        %dma_start3A_187 = arith.constant 0 : i32
        %dma_start3A_188 = tpu.memref_slice %arg3[%dma_start3A_186, %dma_start3A_187] : memref<1000000x128xf32, #tpu.memory_space<hbm>> -> memref<1000000x128xf32, #tpu.memory_space<hbm>>
        tpu.enqueue_indirect_dma source(%dma_start3A_188 : memref<1000000x128xf32, #tpu.memory_space<hbm>>) target(%arg7 : memref<56x128xf32, #tpu.memory_space<vmem>>) offsets(%dma_start3A_185 : memref<56xi32, #tpu.memory_space<vmem>>) semaphore(%arg11 : memref<!tpu.dma_semaphore, #tpu.memory_space<semaphore_mem>>)
      } else {
      }
      %mul3A_122 = arith.constant 4 : i32
      %mul3A_123 = arith.muli %scan3A_72, %mul3A_122 : i32
      %add3A_124 = arith.constant 2 : i32
      %add3A_125 = arith.addi %mul3A_123, %add3A_124 : i32
      %dma_wait3A_126 = arith.constant 0 : i32
      %dma_wait3A_127 = tpu.memref_slice %arg5[%add3A_125, %dma_wait3A_126] : memref<128x128xi32, #tpu.memory_space<vmem>> -> memref<1x56xi32, #tpu.memory_space<vmem>>
      %dma_wait3A_128 = tpu.memref_squeeze %dma_wait3A_127 : memref<1x56xi32, #tpu.memory_space<vmem>> -> memref<56xi32, #tpu.memory_space<vmem>>
      %dma_wait3A_129 = arith.constant 0 : i32
      %dma_wait3A_130 = arith.constant 0 : i32
      %dma_wait3A_131 = tpu.memref_slice %arg3[%dma_wait3A_129, %dma_wait3A_130] : memref<1000000x128xf32, #tpu.memory_space<hbm>> -> memref<1000000x128xf32, #tpu.memory_space<hbm>>
      tpu.wait_indirect_dma semaphore(%arg12 : memref<!tpu.dma_semaphore, #tpu.memory_space<semaphore_mem>>) src(%dma_wait3A_131 : memref<1000000x128xf32, #tpu.memory_space<hbm>>) dst(%arg8 : memref<56x128xf32, #tpu.memory_space<vmem>>)
      %mul3A_132 = arith.constant 128 : i32
      %mul3A_133 = arith.muli %add3A, %mul3A_132 : i32
      %add3A_134 = arith.addi %mul3A_133, %add3A_125 : i32
      %mul3A_135 = arith.constant 56 : i32
      %mul3A_136 = arith.muli %add3A_134, %mul3A_135 : i32
      %dma_start3A_137 = arith.constant 0 : i32
      %dma_start3A_138 = tpu.memref_slice %arg4[%mul3A_136, %dma_start3A_137] : memref<229376x128xf32, #tpu.memory_space<hbm>> -> memref<56x128xf32, #tpu.memory_space<hbm>>
      %dma_start3A_139 = arith.constant 0 : i32
      %dma_start3A_140 = tpu.memref_slice %arg4[%mul3A_136, %dma_start3A_139] : memref<229376x128xf32, #tpu.memory_space<hbm>> -> memref<56x128xf32, #tpu.memory_space<hbm>>
      tpu.enqueue_dma source(%arg8 : memref<56x128xf32, #tpu.memory_space<vmem>>) target(%dma_start3A_140 : memref<56x128xf32, #tpu.memory_space<hbm>>) target_semaphore(%arg16 : memref<!tpu.dma_semaphore, #tpu.memory_space<semaphore_mem>>)
      %add3A_141 = arith.constant 4 : i32
      %add3A_142 = arith.addi %add3A_125, %add3A_141 : i32
      %lt3A_143 = arith.constant 128 : i32
      %lt3A_144 = arith.cmpi slt, %add3A_142, %lt3A_143 : i32
      %convert_element_type3A_145 = arith.extui %lt3A_144 : i1 to i32
      %cond3A_146 = arith.constant 0 : i32
      %cond3A_147 = arith.cmpi ne, %convert_element_type3A_145, %cond3A_146 : i32
      scf.if %cond3A_147 {
        %mul3A_174 = arith.constant 128 : i32
        %mul3A_175 = arith.muli %add3A, %mul3A_174 : i32
        %add3A_176 = arith.addi %mul3A_175, %add3A_125 : i32
        %mul3A_177 = arith.constant 56 : i32
        %mul3A_178 = arith.muli %add3A_176, %mul3A_177 : i32
        %dma_wait3A_179 = arith.constant 0 : i32
        %dma_wait3A_180 = tpu.memref_slice %arg4[%mul3A_178, %dma_wait3A_179] : memref<229376x128xf32, #tpu.memory_space<hbm>> -> memref<56x128xf32, #tpu.memory_space<hbm>>
        %dma_wait3A_181 = arith.constant 0 : i32
        %dma_wait3A_182 = tpu.memref_slice %arg4[%mul3A_178, %dma_wait3A_181] : memref<229376x128xf32, #tpu.memory_space<hbm>> -> memref<56x128xf32, #tpu.memory_space<hbm>>
        tpu.wait_dma2 semaphore(%arg16 : memref<!tpu.dma_semaphore, #tpu.memory_space<semaphore_mem>>) src(%arg8 : memref<56x128xf32, #tpu.memory_space<vmem>>) dst(%dma_wait3A_182 : memref<56x128xf32, #tpu.memory_space<hbm>>)
        %dma_start3A_183 = arith.constant 0 : i32
        %dma_start3A_184 = tpu.memref_slice %arg5[%add3A_142, %dma_start3A_183] : memref<128x128xi32, #tpu.memory_space<vmem>> -> memref<1x56xi32, #tpu.memory_space<vmem>>
        %dma_start3A_185 = tpu.memref_squeeze %dma_start3A_184 : memref<1x56xi32, #tpu.memory_space<vmem>> -> memref<56xi32, #tpu.memory_space<vmem>>
        %dma_start3A_186 = arith.constant 0 : i32
        %dma_start3A_187 = arith.constant 0 : i32
        %dma_start3A_188 = tpu.memref_slice %arg3[%dma_start3A_186, %dma_start3A_187] : memref<1000000x128xf32, #tpu.memory_space<hbm>> -> memref<1000000x128xf32, #tpu.memory_space<hbm>>
        tpu.enqueue_indirect_dma source(%dma_start3A_188 : memref<1000000x128xf32, #tpu.memory_space<hbm>>) target(%arg8 : memref<56x128xf32, #tpu.memory_space<vmem>>) offsets(%dma_start3A_185 : memref<56xi32, #tpu.memory_space<vmem>>) semaphore(%arg12 : memref<!tpu.dma_semaphore, #tpu.memory_space<semaphore_mem>>)
      } else {
      }
      %mul3A_148 = arith.constant 4 : i32
      %mul3A_149 = arith.muli %scan3A_72, %mul3A_148 : i32
      %add3A_150 = arith.constant 3 : i32
      %add3A_151 = arith.addi %mul3A_149, %add3A_150 : i32
      %dma_wait3A_152 = arith.constant 0 : i32
      %dma_wait3A_153 = tpu.memref_slice %arg5[%add3A_151, %dma_wait3A_152] : memref<128x128xi32, #tpu.memory_space<vmem>> -> memref<1x56xi32, #tpu.memory_space<vmem>>
      %dma_wait3A_154 = tpu.memref_squeeze %dma_wait3A_153 : memref<1x56xi32, #tpu.memory_space<vmem>> -> memref<56xi32, #tpu.memory_space<vmem>>
      %dma_wait3A_155 = arith.constant 0 : i32
      %dma_wait3A_156 = arith.constant 0 : i32
      %dma_wait3A_157 = tpu.memref_slice %arg3[%dma_wait3A_155, %dma_wait3A_156] : memref<1000000x128xf32, #tpu.memory_space<hbm>> -> memref<1000000x128xf32, #tpu.memory_space<hbm>>
      tpu.wait_indirect_dma semaphore(%arg13 : memref<!tpu.dma_semaphore, #tpu.memory_space<semaphore_mem>>) src(%dma_wait3A_157 : memref<1000000x128xf32, #tpu.memory_space<hbm>>) dst(%arg9 : memref<56x128xf32, #tpu.memory_space<vmem>>)
      %mul3A_158 = arith.constant 128 : i32
      %mul3A_159 = arith.muli %add3A, %mul3A_158 : i32
      %add3A_160 = arith.addi %mul3A_159, %add3A_151 : i32
      %mul3A_161 = arith.constant 56 : i32
      %mul3A_162 = arith.muli %add3A_160, %mul3A_161 : i32
      %dma_start3A_163 = arith.constant 0 : i32
      %dma_start3A_164 = tpu.memref_slice %arg4[%mul3A_162, %dma_start3A_163] : memref<229376x128xf32, #tpu.memory_space<hbm>> -> memref<56x128xf32, #tpu.memory_space<hbm>>
      %dma_start3A_165 = arith.constant 0 : i32
      %dma_start3A_166 = tpu.memref_slice %arg4[%mul3A_162, %dma_start3A_165] : memref<229376x128xf32, #tpu.memory_space<hbm>> -> memref<56x128xf32, #tpu.memory_space<hbm>>
      tpu.enqueue_dma source(%arg9 : memref<56x128xf32, #tpu.memory_space<vmem>>) target(%dma_start3A_166 : memref<56x128xf32, #tpu.memory_space<hbm>>) target_semaphore(%arg17 : memref<!tpu.dma_semaphore, #tpu.memory_space<semaphore_mem>>)
      %add3A_167 = arith.constant 4 : i32
      %add3A_168 = arith.addi %add3A_151, %add3A_167 : i32
      %lt3A_169 = arith.constant 128 : i32
      %lt3A_170 = arith.cmpi slt, %add3A_168, %lt3A_169 : i32
      %convert_element_type3A_171 = arith.extui %lt3A_170 : i1 to i32
      %cond3A_172 = arith.constant 0 : i32
      %cond3A_173 = arith.cmpi ne, %convert_element_type3A_171, %cond3A_172 : i32
      scf.if %cond3A_173 {
        %mul3A_174 = arith.constant 128 : i32
        %mul3A_175 = arith.muli %add3A, %mul3A_174 : i32
        %add3A_176 = arith.addi %mul3A_175, %add3A_151 : i32
        %mul3A_177 = arith.constant 56 : i32
        %mul3A_178 = arith.muli %add3A_176, %mul3A_177 : i32
        %dma_wait3A_179 = arith.constant 0 : i32
        %dma_wait3A_180 = tpu.memref_slice %arg4[%mul3A_178, %dma_wait3A_179] : memref<229376x128xf32, #tpu.memory_space<hbm>> -> memref<56x128xf32, #tpu.memory_space<hbm>>
        %dma_wait3A_181 = arith.constant 0 : i32
        %dma_wait3A_182 = tpu.memref_slice %arg4[%mul3A_178, %dma_wait3A_181] : memref<229376x128xf32, #tpu.memory_space<hbm>> -> memref<56x128xf32, #tpu.memory_space<hbm>>
        tpu.wait_dma2 semaphore(%arg17 : memref<!tpu.dma_semaphore, #tpu.memory_space<semaphore_mem>>) src(%arg9 : memref<56x128xf32, #tpu.memory_space<vmem>>) dst(%dma_wait3A_182 : memref<56x128xf32, #tpu.memory_space<hbm>>)
        %dma_start3A_183 = arith.constant 0 : i32
        %dma_start3A_184 = tpu.memref_slice %arg5[%add3A_168, %dma_start3A_183] : memref<128x128xi32, #tpu.memory_space<vmem>> -> memref<1x56xi32, #tpu.memory_space<vmem>>
        %dma_start3A_185 = tpu.memref_squeeze %dma_start3A_184 : memref<1x56xi32, #tpu.memory_space<vmem>> -> memref<56xi32, #tpu.memory_space<vmem>>
        %dma_start3A_186 = arith.constant 0 : i32
        %dma_start3A_187 = arith.constant 0 : i32
        %dma_start3A_188 = tpu.memref_slice %arg3[%dma_start3A_186, %dma_start3A_187] : memref<1000000x128xf32, #tpu.memory_space<hbm>> -> memref<1000000x128xf32, #tpu.memory_space<hbm>>
        tpu.enqueue_indirect_dma source(%dma_start3A_188 : memref<1000000x128xf32, #tpu.memory_space<hbm>>) target(%arg9 : memref<56x128xf32, #tpu.memory_space<vmem>>) offsets(%dma_start3A_185 : memref<56xi32, #tpu.memory_space<vmem>>) semaphore(%arg13 : memref<!tpu.dma_semaphore, #tpu.memory_space<semaphore_mem>>)
      } else {
      }
    }
    %scan3A_32 = arith.constant 32 : i32
    %mul3A_33 = arith.constant 128 : i32
    %mul3A_34 = arith.muli %add3A, %mul3A_33 : i32
    %add3A_35 = arith.constant 124 : i32
    %add3A_36 = arith.addi %mul3A_34, %add3A_35 : i32
    %mul3A_37 = arith.constant 56 : i32
    %mul3A_38 = arith.muli %add3A_36, %mul3A_37 : i32
    %dma_wait3A = arith.constant 0 : i32
    %dma_wait3A_39 = tpu.memref_slice %arg4[%mul3A_38, %dma_wait3A] : memref<229376x128xf32, #tpu.memory_space<hbm>> -> memref<56x128xf32, #tpu.memory_space<hbm>>
    %dma_wait3A_40 = arith.constant 0 : i32
    %dma_wait3A_41 = tpu.memref_slice %arg4[%mul3A_38, %dma_wait3A_40] : memref<229376x128xf32, #tpu.memory_space<hbm>> -> memref<56x128xf32, #tpu.memory_space<hbm>>
    tpu.wait_dma2 semaphore(%arg14 : memref<!tpu.dma_semaphore, #tpu.memory_space<semaphore_mem>>) src(%arg6 : memref<56x128xf32, #tpu.memory_space<vmem>>) dst(%dma_wait3A_41 : memref<56x128xf32, #tpu.memory_space<hbm>>)
    %mul3A_42 = arith.constant 128 : i32
    %mul3A_43 = arith.muli %add3A, %mul3A_42 : i32
    %add3A_44 = arith.constant 125 : i32
    %add3A_45 = arith.addi %mul3A_43, %add3A_44 : i32
    %mul3A_46 = arith.constant 56 : i32
    %mul3A_47 = arith.muli %add3A_45, %mul3A_46 : i32
    %dma_wait3A_48 = arith.constant 0 : i32
    %dma_wait3A_49 = tpu.memref_slice %arg4[%mul3A_47, %dma_wait3A_48] : memref<229376x128xf32, #tpu.memory_space<hbm>> -> memref<56x128xf32, #tpu.memory_space<hbm>>
    %dma_wait3A_50 = arith.constant 0 : i32
    %dma_wait3A_51 = tpu.memref_slice %arg4[%mul3A_47, %dma_wait3A_50] : memref<229376x128xf32, #tpu.memory_space<hbm>> -> memref<56x128xf32, #tpu.memory_space<hbm>>
    tpu.wait_dma2 semaphore(%arg15 : memref<!tpu.dma_semaphore, #tpu.memory_space<semaphore_mem>>) src(%arg7 : memref<56x128xf32, #tpu.memory_space<vmem>>) dst(%dma_wait3A_51 : memref<56x128xf32, #tpu.memory_space<hbm>>)
    %mul3A_52 = arith.constant 128 : i32
    %mul3A_53 = arith.muli %add3A, %mul3A_52 : i32
    %add3A_54 = arith.constant 126 : i32
    %add3A_55 = arith.addi %mul3A_53, %add3A_54 : i32
    %mul3A_56 = arith.constant 56 : i32
    %mul3A_57 = arith.muli %add3A_55, %mul3A_56 : i32
    %dma_wait3A_58 = arith.constant 0 : i32
    %dma_wait3A_59 = tpu.memref_slice %arg4[%mul3A_57, %dma_wait3A_58] : memref<229376x128xf32, #tpu.memory_space<hbm>> -> memref<56x128xf32, #tpu.memory_space<hbm>>
    %dma_wait3A_60 = arith.constant 0 : i32
    %dma_wait3A_61 = tpu.memref_slice %arg4[%mul3A_57, %dma_wait3A_60] : memref<229376x128xf32, #tpu.memory_space<hbm>> -> memref<56x128xf32, #tpu.memory_space<hbm>>
    tpu.wait_dma2 semaphore(%arg16 : memref<!tpu.dma_semaphore, #tpu.memory_space<semaphore_mem>>) src(%arg8 : memref<56x128xf32, #tpu.memory_space<vmem>>) dst(%dma_wait3A_61 : memref<56x128xf32, #tpu.memory_space<hbm>>)
    %mul3A_62 = arith.constant 128 : i32
    %mul3A_63 = arith.muli %add3A, %mul3A_62 : i32
    %add3A_64 = arith.constant 127 : i32
    %add3A_65 = arith.addi %mul3A_63, %add3A_64 : i32
    %mul3A_66 = arith.constant 56 : i32
    %mul3A_67 = arith.muli %add3A_65, %mul3A_66 : i32
    %dma_wait3A_68 = arith.constant 0 : i32
    %dma_wait3A_69 = tpu.memref_slice %arg4[%mul3A_67, %dma_wait3A_68] : memref<229376x128xf32, #tpu.memory_space<hbm>> -> memref<56x128xf32, #tpu.memory_space<hbm>>
    %dma_wait3A_70 = arith.constant 0 : i32
    %dma_wait3A_71 = tpu.memref_slice %arg4[%mul3A_67, %dma_wait3A_70] : memref<229376x128xf32, #tpu.memory_space<hbm>> -> memref<56x128xf32, #tpu.memory_space<hbm>>
    tpu.wait_dma2 semaphore(%arg17 : memref<!tpu.dma_semaphore, #tpu.memory_space<semaphore_mem>>) src(%arg9 : memref<56x128xf32, #tpu.memory_space<vmem>>) dst(%dma_wait3A_71 : memref<56x128xf32, #tpu.memory_space<hbm>>)
    return
  }
}

</mosaic_0001>

<sc_bundles>
// kernel: _sc_embed.3.cloned.1.call-start
scs
__scs_entry_jumppad:
0x0: {  	(pc) =	sbr.rel $0x88, $3  }
0x1: {  	(tag) =	ssettag $0x0;
	lr =	simm.s32 $0x1  }
0x2: {  	[smem:$0x3F9F] =	sst lr;
	_ =	strace $0xD0000000  }
0x3: {  	_ = 	snop  }
0x4: {  	_ = 	snop  }
0x5: {  	_ = 	snop  }
0x6: {  	_ = 	snop  }
0x7: {  	_ = 	snop  }
__scs_overlays_trampoline_lowered:
0x8: {  	[smem:$0x3FAE] =	sst s0  }
0x9: {  	[smem:$0x3FAF] =	sst s1  }
0xa: {  	[smem:$0x3FB0] =	sst s2  }
0xb: {  	[smem:$0x3FB1] =	sst s3  }
0xc: {  	[smem:$0x3FB2] =	sst s4  }
0xd: {  	[smem:$0x3FB3] =	sst s5  }
0xe: {  	[smem:$0x3FB4] =	sst s6  }
0xf: {  	[smem:$0x3FB5] =	sst s7  }
0x10: {  	[smem:$0x3FB6] =	sst s8  }
0x11: {  	[smem:$0x3FB7] =	sst s9;
	s0 =	simm.s32 @!p0 $0x0  }
0x12: {  	s1 =	sld [smem:$0x3F9D];
	s0 =	simm.s32 @p0 $0x1  }
0x13: {  	[smem:$0x3FB8] =	sst s0;
	s0 =	simm.s32 @!p1 $0x0  }
0x14: {  	s2 =	sld [smem:$0x3F9C];
	s0 =	simm.s32 @p1 $0x1  }
0x15: {  	[smem:$0x3FB9] =	sst s0;
	s0 =	simm.s32 @!p2 $0x0  }
0x16: {  	s3 =	sld [smem:$0x3FDB];
	s0 =	simm.s32 @p2 $0x1  }
0x17: {  	s4 =	simm.s32 $0x1BF5;
	[smem:$0x3FBB] =	sst s0  }
0x18: {  	s0 =	sld [smem:$0x3F9E];
	_ =	swait.ge [sflag:s4], $0x0  }
0x19: {  	s7 =	sld [smem:$0x3F9F]  }
0x1a: {  	s8 =	sadd.s32 $0xFFFFE003, lr  }
0x1b: {  	s9 =	sadd.s32 $0xFFFFFEF7, lr;
	s5 =	simm.s32 $0xFFFFFFFF;
	p2 =	slt.u32 s8, $0xFFFFF086  }
0x1c: {  	p1 =	slt.u32 s9, $0xF7A;
	s5 =	simm.s32 @!p2 $0x0  }
0x1d: {  	s5 =	simm.s32 @p1 $0x1;
	p0 =	seq.s32 s7, s2  }
0x1e: {  	s7 =	smul.u32 @!p0 $0xF7A, s2;
	p2 =	seq.s32 @!p0 s5, $0x0  }
0x1f: {  	s9 =	smul.u32 $0xF7A, s1;
	s8 =	simm.s32 @!p0 $0x1BF5;
	p2 =	por !p2, p0  }
0x20: {  	[sflag:s8] =	ssyncset.s32 @!p0 $0xFFFFF086;
	s6 =	sadd.s32 @!p0 s3, s7;
	s7 =	simm.s32 @!p0 $0x108  }
0x21: {  	s3 =	sadd.s32 s3, s9;
	s6 =	sadd.s32 @!p0 $0x88, s6;
	s7 =	simm.s32 @p2 $0x1082  }
0x22: {  	[simem:s7], [sflag:s8] =	dma.local @!p0 [hbm:s6], $0xF7A  }
0x23: {  	s9 =	sor.u32 $0xD0000000, s2;
	s6 =	simm.s32 $0x108;
	_ =	swait.ge @!p0 [sflag:s8], $0x0  }
0x24: {  	s3 =	sadd.s32 $0x88, s3;
	s6 =	simm.s32 @!p1 $0x1082;
	[sflag:s4] =	ssyncset.s32 $0xFFFFF086  }
0x25: {  	[simem:s6], [sflag:s4] =	dma.local [hbm:s3], $0xF7A  }
0x26: {  	[smem:$0x3F9F] =	sst s1;
	(tag) =	ssettag s2;
	_ =	strace s9  }
0x27: {  	s1 =	sld [smem:$0x3FAF]  }
0x28: {  	s2 =	sld [smem:$0x3FB0]  }
0x29: {  	s4 =	sld [smem:$0x3FB2]  }
0x2a: {  	p0 =	seq.s32 s5, $0x0;
	s5 =	sld [smem:$0x3FB3]  }
0x2b: {  	s6 =	sld [smem:$0x3FB4]  }
0x2c: {  	s7 =	sld [smem:$0x3FB5]  }
0x2d: {  	s3 =	simm.s32 $0x108;
	s8 =	sld [smem:$0x3FB6]  }
0x2e: {  	s3 =	simm.s32 @!p0 $0x1082;
	s9 =	sld [smem:$0x3FB7]  }
0x2f: {  	lr =	sadd.s32 s0, s3;
	s0 =	sld [smem:$0x3FAE]  }
0x30: {  	s3 =	sld [smem:$0x3FB1]  }
0x31: {  	[smem:$0x3FBA] =	sst s10  }
0x32: {  	s10 =	sld [smem:$0x3FB8];
	_ =	sdelay $0x3  }
0x33: {  	p0 =	seq.s32 s10, $0x1;
	s10 =	sld [smem:$0x3FBA];
	_ =	sdelay $0x3  }
0x34: {  	[smem:$0x3FBA] =	sst s10  }
0x35: {  	s10 =	sld [smem:$0x3FB9];
	_ =	sdelay $0x3  }
0x36: {  	p1 =	seq.s32 s10, $0x1;
	s10 =	sld [smem:$0x3FBA];
	_ =	sdelay $0x3  }
0x37: {  	[smem:$0x3FBA] =	sst s10  }
0x38: {  	s10 =	sld [smem:$0x3FBB]  }
0x39: {  	_ = 	snop;
	(pc) =	sbr.ind lr, $3  }
0x3a: {  	_ = 	snop  }
0x3b: {  	_ = 	snop  }
0x3c: {  	p2 =	seq.s32 s10, $0x1;
	s10 =	sld [smem:$0x3FBA]  }
0x3d: {  	_ =	shalt  }
0x3e: {  	_ =	shalt  }
0x3f: {  	_ =	shalt  }
0x40: {  	_ =	shalt  }
0x41: {  	_ =	shalt  }
0x42: {  	_ =	shalt  }
0x43: {  	_ =	shalt  }
0x44: {  	_ =	shalt  }
0x45: {  	_ =	shalt  }
0x46: {  	_ =	shalt  }
0x47: {  	_ =	shalt  }
0x48: {  	_ =	shalt  }
0x49: {  	_ =	shalt  }
0x4a: {  	_ =	shalt  }
0x4b: {  	_ =	shalt  }
0x4c: {  	_ =	shalt  }
0x4d: {  	_ =	shalt  }
0x4e: {  	_ =	shalt  }
0x4f: {  	_ =	shalt  }
0x50: {  	_ =	shalt  }
0x51: {  	_ =	shalt  }
0x52: {  	_ =	shalt  }
0x53: {  	_ =	shalt  }
0x54: {  	_ =	shalt  }
0x55: {  	_ =	shalt  }
0x56: {  	_ =	shalt  }
0x57: {  	_ =	shalt  }
0x58: {  	_ =	shalt  }
0x59: {  	_ =	shalt  }
0x5a: {  	_ =	shalt  }
0x5b: {  	_ =	shalt  }
0x5c: {  	_ =	shalt  }
0x5d: {  	_ =	shalt  }
0x5e: {  	_ =	shalt  }
0x5f: {  	_ =	shalt  }
0x60: {  	_ =	shalt  }
0x61: {  	_ =	shalt  }
0x62: {  	_ =	shalt  }
0x63: {  	_ =	shalt  }
0x64: {  	_ =	shalt  }
0x65: {  	_ =	shalt  }
0x66: {  	_ =	shalt  }
0x67: {  	_ =	shalt  }
0x68: {  	_ =	shalt  }
0x69: {  	_ =	shalt  }
0x6a: {  	_ =	shalt  }
0x6b: {  	_ =	shalt  }
0x6c: {  	_ =	shalt  }
0x6d: {  	_ =	shalt  }
0x6e: {  	_ =	shalt  }
0x6f: {  	_ =	shalt  }
0x70: {  	_ =	shalt  }
0x71: {  	_ =	shalt  }
0x72: {  	_ =	shalt  }
0x73: {  	_ =	shalt  }
0x74: {  	_ =	shalt  }
0x75: {  	_ =	shalt  }
0x76: {  	_ =	shalt  }
0x77: {  	_ =	shalt  }
0x78: {  	_ =	shalt  }
0x79: {  	_ =	shalt  }
0x7a: {  	_ =	shalt  }
0x7b: {  	_ =	shalt  }
0x7c: {  	_ =	shalt  }
0x7d: {  	_ =	shalt  }
0x7e: {  	_ =	shalt  }
0x7f: {  	_ =	shalt  }
0x80: {  	_ =	shalt  }
0x81: {  	_ =	shalt  }
0x82: {  	_ =	shalt  }
0x83: {  	_ =	shalt  }
0x84: {  	_ =	shalt  }
0x85: {  	_ =	shalt  }
0x86: {  	_ =	shalt  }
0x87: {  	_ =	shalt  }
.Lfunc_end0:
.L_simem_size_0:
called_computation_lowered:
.L_overlay_start_0:
0x88: {  	s2 =	sld [smem:$0x3FD9]  }
0x89: {  	s3 =	sld [smem:$0x3FFE];
	_ =	sdelay $0x1  }
0x8a: {  	s1 =	srdreg.scid  }
0x8b: {  	s0 =	sand.u32 $0x1, s1  }
0x8c: {  	s18 =	sshll.u32 s0, $0xA;
	s2 =	sadd.s32 s3, s2  }
0x8d: {  	s2 =	sadd.s32 s2, s18  }
0x8e: {  	[smem:$0x3FC6] =	sst s2  }
0x8f: {  	_ = 	snop  }
0x90: {  	s2 =	sld [smem:$0x3FC9]  }
0x91: {  	s19 =	sld [smem:$0x3FC8]  }
0x92: {  	s4 =	sld [smem:$0x3FD0];
	(tm) =	ssettm $0x1  }
0x93: {  	s5 =	sld [smem:$0x3FFB];
	_ =	sdelay $0x3  }
0x94: {  	_ =	strace s5  }
0x95: {  	s5 =	sld [smem:$0x3FFC];
	_ =	sdelay $0x3  }
0x96: {  	_ =	strace s5  }
0x97: {  	s5 =	sld [smem:$0x3FFD];
	_ =	sdelay $0x3  }
0x98: {  	_ =	strace s5  }
0x99: {  	_ =	strace $0x8FFFFFFF  }
0x9a: {  	s20 =	sld [smem:$0x3FDB];
	_ =	sdelay $0x1  }
0x9b: {  	s6 =	simm.s32 $_scs_section_size  }
0x9c: {  	s7 =	simm.s32 $_size__tile_overlayer_lowered;
	s8 =	simm.s32 $_tile_overlayer_lowered  }
0x9d: {  	s23 =	simm.s32 $0x1BFF;
	s22 =	sshll.u32 s8, $0x1;
	s5 =	sadd.s32 s6, s20  }
0x9e: {  	s9 =	simm.s32 $0x0;
	s21 =	sshll.u32 s7, $0x1;
	s7 =	sadd.s32 s22, s5  }
0x9f: {  	[timem:s9], [sflag:s23] =	dma.local [hbm:s7], s21  }
0xa0: {  	_ =	swait.ge [sflag:s23], s21  }
0xa1: {  	s6 =	ssub.s32 $0x0, s21;
	[sflag:s23] =	ssyncset.done $0x0  }
0xa2: {  	[sflag:s23] =	ssyncadd.s32 s6;
	_ =	sdelay $0x1  }
0xa3: {  	s24 =	simm.s32 $0x1B8B  }
0xa4: {  	_ =	swait.ge [sflag:s24], $0x1  }
0xa5: {  	[sflag:s24] =	ssyncset.done $0x0  }
0xa6: {  	s25 =	simm.s32 $0x1B8E;
	[sflag:s24] =	ssyncadd.s32 $0xFFFFFFFF  }
0xa7: {  	s26 =	simm.s32 $execute0_lowered;
	[smem:$0x3FD2] =	sst s25  }
0xa8: {  	s6 =	sshll.u32 s26, $0x1;
	_ =	strace $0x80000046;
	[dreg:$0x1] =	wrdreg $0xFFFFFFFF  }
0xa9: {  	s28 =	simm.s32 $_size_execute0_lowered;
	s5 =	sadd.s32 s5, s6;
	[dreg:$0x0] =	wrdreg $0x0  }
0xaa: {  	s6 =	sshll.u32 s28, $0x1;
	[dreg:$0x2] =	wrdreg s5  }
0xab: {  	[dreg:$0x3] =	wrdreg s6  }
0xac: {  	[dreg:$0x4] =	wrdreg $0xC0  }
0xad: {  	_ =	task [dreg:s9], $0x5FFFF  }
0xae: {  	[dreg:$0x1] =	wrdreg $0xFFFFFFFF  }
0xaf: {  	[dreg:$0x0] =	wrdreg $0x60  }
0xb0: {  	[dreg:$0x2] =	wrdreg s2  }
0xb1: {  	[dreg:$0x3] =	wrdreg s19  }
0xb2: {  	[dreg:$0x4] =	wrdreg s4  }
0xb3: {  	[dreg:$0x5] =	wrdreg $0x9  }
0xb4: {  	_ =	task.clear_ibuf [dreg:s9], $0x6FFFF;
	_ =	strace $0x90000046  }
0xb5: {  	s29 =	simm.s32 $0x9;
	_ =	strace $0x80000048  }
0xb6: {  	_ =	swait.ge [sflag:s29], $0x1  }
0xb7: {  	[sflag:s29] =	ssyncadd.s32 $0xFFFFFFFF  }
0xb8: {  	_ =	strace $0x90000048  }
0xb9: {  	_ =	sfence  }
0xba: {  	s30 =	sld [smem:$0x0];
	_ =	sdelay $0x2  }
0xbb: {  	s31 =	sshll.u32 s1, $0xD;
	s1 =	sshrl.u32 s1, $0x2  }
0xbc: {  	s3 =	sand.u32 $0x4000, s31;
	s1 =	sadd.s32 s1, s30  }
0xbd: {  	s0 =	sor.u32 s3, s0;
	s1 =	sshll.u32 s1, $0x11  }
0xbe: {  	s0 =	sor.u32 s1, s0  }
0xbf: {  	s0 =	sadd.s32 $0x8F2B, s0  }
0xc0: {  	[sflag:s0] =	ssyncadd.remote.s32 $0x1  }
0xc1: {  	_ =	sfence.sel $0xFFFF  }
0xc2: {  	[dreg:$0x0] =	wrdreg $0xFFFFFFFF;
	(pc) =	sbr.abs _section_cstart, $3  }
0xc3: {  	[dreg:$0x1] =	wrdreg $0xFFFFFFFF  }
0xc4: {  	_ =	task.clear_ibuf [dreg:s9], $0x2FFFF;
	_ =	strace $0x9FFFFFFF  }
0xc5: {  	(tm) =	ssettm $0x7FFFFFFF  }
tec
execute0_lowered:
.L_overlay_start_1:
0x0: {  	(tag) =	ssettag $0x1  }
0x1: {  	s4 =	rddreg [dreg:$0x0]  }
0x2: {  	s1 =	rddreg [dreg:$0x1]  }
0x3: {  	s5 =	rddreg [dreg:$0x2]  }
0x4: {  	s2 =	srdreg.scid;
	s0 =	rddreg [dreg:$0x3]  }
0x5: {  	s3 =	simm.s32 $0x0;
	s12 =	simm.s32 $0x100;
	s13 =	simm.s32 $0x7800  }
0x6: {  	s14 =	simm.s32 $0x180;
	s15 =	simm.s32 $0x9400;
	s16 =	simm.s32 $0x1  }
0x7: {  	s17 =	simm.s32 $0x2;
	s18 =	simm.s32 $0x3;
	s19 =	simm.s32 $0x4  }
0x8: {  	s20 =	simm.s32 $0x5;
	s21 =	simm.s32 $0x6;
	s22 =	simm.s32 $0x7  }
0x9: {  	s23 =	simm.s32 $0x8;
	s6 =	sand.u32 $0x1, s2;
	s2 =	stileid.u32  }
0xa: {  	s24 =	simm.s32 $0x0;
	[smem:$0x7FF] =	sst s3;
	s9 =	smul.u32 $0x38000, s2  }
0xb: {  	s7 =	ssub.s32 $0x2, s6;
	s11 =	sshll.u32 s6, $0xB;
	s6 =	smul.u32 $0x1C000, s6  }
.Ltmp0:
0xc: {  	_ =	strace $0x80000047;
	s10 =	sshll.u32 s2, $0xC;
	(pc) =	sbr.rel .LBB2_1-.Ltmp0, $4  }
0xd: {  	s8 =	sshrl.u32 s7, $0x1;
	s31 =	sor.u32 s11, s10;
	s10 =	simm.s32 $0x80  }
0xe: {  	s11 =	simm.s32 $0x5C00;
	s7 =	ssub.s32 s7, s8;
	s9 =	sadd.s32 s9, s5  }
0xf: {  	s4 =	sadd.s32 s4, s31;
	s8 =	simm.s32 $0x38;
	s5 =	smax.u32 s7, $0x1  }
0x10: {  	s6 =	sadd.s32 s6, s9;
	s7 =	simm.s32 $0x9;
	s9 =	simm.s32 $0x4000  }
.LBB2_4:
0x11: {  	_ =	swait.ge [sflag:s20], $0x1C00  }
0x12: {  	[sflag:s20] =	ssyncset.done $0x0  }
0x13: {  	[sflag:s20] =	ssyncadd.s32 $0xFFFFE400  }
0x14: {  	_ =	swait.ge [sflag:s21], $0x1C00  }
0x15: {  	[sflag:s21] =	ssyncset.done $0x0  }
0x16: {  	s24 =	sadd.s32 $0x1, s24;
	[sflag:s21] =	ssyncadd.s32 $0xFFFFE400  }
0x17: {  	p0 =	sne.s32 s24, s5;
	_ =	swait.ge [sflag:s22], $0x1C00  }
.Ltmp1:
0x18: {  	[sflag:s22] =	ssyncset.done $0x0;
	(pc) =	sbr.rel @!p0 .LBB2_5-.Ltmp1, $4  }
0x19: {  	[sflag:s22] =	ssyncadd.s32 $0xFFFFE400  }
0x1a: {  	_ =	swait.ge [sflag:s23], $0x1C00  }
0x1b: {  	[sflag:s23] =	ssyncset.done $0x0  }
0x1c: {  	[sflag:s23] =	ssyncadd.s32 $0xFFFFE400  }
.LBB2_1:
0x1d: {  	[tilespmem:s3], [sflag:$0x9] =	stream.linear.gather [hbm4b:s4+s3], $0x4000, $0x38;
	[tilespmem:$0xB000] =	vst v63  }
0x1e: {  	_ =	swait.ge [sflag:s7], $0x4000  }
0x1f: {  	[sflag:s7] =	ssyncset.done $0x0  }
0x20: {  	[sflag:s7] =	ssyncadd.s32 $0xFFFFC000  }
0x21: {  	[tilespmem:s9], [sflag:$0x1] =	stream.indirect.gather [hbm4b:s1+s8], $0x80, s3, s8, $0xb8;
	[tilespmem:$0xB000] =	vst v63  }
0x22: {  	_ = 	snop  }
0x23: {  	[tilespmem:s11], [sflag:$0x2] =	stream.indirect.gather [hbm4b:s1+s8], $0x80, s10, s8, $0xb8;
	[tilespmem:$0xB000] =	vst v63  }
0x24: {  	_ = 	snop  }
0x25: {  	[tilespmem:s13], [sflag:$0x3] =	stream.indirect.gather [hbm4b:s1+s8], $0x80, s12, s8, $0xb8;
	[tilespmem:$0xB000] =	vst v63  }
0x26: {  	s25 =	smov.u32 s6;
	s26 =	simm.s32 $0x0  }
0x27: {  	[tilespmem:s15], [sflag:$0x4] =	stream.indirect.gather [hbm4b:s1+s8], $0x80, s14, s8, $0xb8;
	[tilespmem:$0xB000] =	vst v63  }
.LBB2_2:
0x28: {  	_ =	swait.ge [sflag:s16], $0x1C00  }
0x29: {  	p0 =	seq.s32 s26, $0xF800;
	[sflag:s16] =	ssyncset.done $0x0  }
0x2a: {  	s28 =	simm.s32 @!p0 $0x5;
	[sflag:s16] =	ssyncadd.s32 $0xFFFFE400  }
0x2b: {  	[hbm4b:s25+s3] =	stream.linear.scatter [tilespmem:s9], [sflag:$0x5], $0x1C00, $0x38;
	[tilespmem:$0xB000] =	vst v63  }
0x2c: {  	_ =	swait.ge @!p0 [sflag:s28], $0x1C00  }
0x2d: {  	[sflag:s28] =	ssyncset.done @!p0 $0x0  }
0x2e: {  	[sflag:s28] =	ssyncadd.s32 @!p0 $0xFFFFE400;
	s28 =	sshra.s32 @!p0 s26, $0x2  }
0x2f: {  	s30 =	simm.s32 @!p0 $0x38;
	s31 =	simm.s32 @!p0 $0x4000;
	s29 =	sadd.s32 @!p0 $0x200, s28  }
0x30: {  	[tilespmem:s31], [sflag:$0x1] =	stream.indirect.gather @!p0 [hbm4b:s1+s30], $0x80, s29, s30, $0xb8;
	[tilespmem:$0xB000] =	vst v63  }
0x31: {  	_ =	swait.ge [sflag:s17], $0x1C00  }
0x32: {  	[sflag:s17] =	ssyncset.done $0x0  }
0x33: {  	s31 =	sadd.s32 $0x380, s25;
	s29 =	simm.s32 @!p0 $0x6;
	[sflag:s17] =	ssyncadd.s32 $0xFFFFE400  }
0x34: {  	[hbm4b:s31+s3] =	stream.linear.scatter [tilespmem:s11], [sflag:$0x6], $0x1C00, $0x38;
	[tilespmem:$0xB000] =	vst v63  }
0x35: {  	_ =	swait.ge @!p0 [sflag:s29], $0x1C00  }
0x36: {  	[sflag:s29] =	ssyncset.done @!p0 $0x0  }
0x37: {  	s31 =	simm.s32 @!p0 $0x5C00;
	[sflag:s29] =	ssyncadd.s32 @!p0 $0xFFFFE400;
	s29 =	sadd.s32 @!p0 $0x280, s28  }
0x38: {  	[tilespmem:s31], [sflag:$0x2] =	stream.indirect.gather @!p0 [hbm4b:s1+s30], $0x80, s29, s30, $0xb8;
	[tilespmem:$0xB000] =	vst v63  }
0x39: {  	_ =	swait.ge [sflag:s18], $0x1C00  }
0x3a: {  	[sflag:s18] =	ssyncset.done $0x0  }
0x3b: {  	s31 =	sadd.s32 $0x700, s25;
	s29 =	simm.s32 @!p0 $0x7;
	[sflag:s18] =	ssyncadd.s32 $0xFFFFE400  }
0x3c: {  	[hbm4b:s31+s3] =	stream.linear.scatter [tilespmem:s13], [sflag:$0x7], $0x1C00, $0x38;
	[tilespmem:$0xB000] =	vst v63  }
0x3d: {  	_ =	swait.ge @!p0 [sflag:s29], $0x1C00  }
0x3e: {  	[sflag:s29] =	ssyncset.done @!p0 $0x0  }
0x3f: {  	s28 =	sadd.s32 @!p0 $0x300, s28;
	[sflag:s29] =	ssyncadd.s32 @!p0 $0xFFFFE400;
	s29 =	simm.s32 @!p0 $0x7800  }
0x40: {  	[tilespmem:s29], [sflag:$0x3] =	stream.indirect.gather @!p0 [hbm4b:s1+s30], $0x80, s28, s30, $0xb8;
	[tilespmem:$0xB000] =	vst v63  }
.Ltmp2:
0x41: {  	_ = 	snop;
	(pc) =	sbr.rel @p0 .LBB2_4-.Ltmp2, $4  }
0x42: {  	_ =	swait.ge [sflag:s19], $0x1C00  }
0x43: {  	[sflag:s19] =	ssyncset.done $0x0  }
0x44: {  	s31 =	sadd.s32 $0xA80, s25;
	[sflag:s19] =	ssyncadd.s32 $0xFFFFE400  }
0x45: {  	[hbm4b:s31+s3] =	stream.linear.scatter [tilespmem:s15], [sflag:$0x8], $0x1C00, $0x38;
	[tilespmem:$0xB000] =	vst v63  }
.Ltmp3:
0x46: {  	(pc) =	sbr.rel .LBB2_2-.Ltmp3, $4  }
0x47: {  	_ =	swait.ge [sflag:s23], $0x1C00  }
0x48: {  	s28 =	sshra.s32 s26, $0x2;
	s26 =	sadd.s32 $0x800, s26;
	[sflag:s23] =	ssyncset.done $0x0  }
0x49: {  	s25 =	sadd.s32 $0xE00, s25;
	s28 =	sadd.s32 $0x380, s28;
	[sflag:s23] =	ssyncadd.s32 $0xFFFFE400  }
0x4a: {  	[tilespmem:s15], [sflag:$0x4] =	stream.indirect.gather [hbm4b:s1+s8], $0x80, s28, s8, $0xb8;
	[tilespmem:$0xB000] =	vst v63  }
.LBB2_5:
0x4b: {  	_ =	sfence.sel $0x180000  }
0x4c: {  	[bflag:$0x0] =	sbarrier.arrive $0xFFFF  }
0x4d: {  	p0 =	sne.s32 s2, $0x0;
	_ =	strace $0x90000047  }
0x4e: {  	s0 =	sadd.s32 @!p0 $0x100000, s0;
	[bflag:$0x2] =	sbarrier.arrive $0xFFFF  }
0x4f: {  	[sflag:s0] =	ssyncadd.tile.s32 @!p0 $0x1;
	_ =	shalt  }
.Lfunc_end2:
_tile_overlayer_lowered:
.L_overlay_start_2:
0x50: {  	(tag) =	ssettag $0x2  }
0x51: {  	s0 =	rddreg [dreg:$0x0];
	s2 =	stileid.u32  }
0x52: {  	s1 =	rddreg [dreg:$0x1];
	p0 =	sne.s32 s2, $0x0  }
0x53: {  	s3 =	rddreg [dreg:$0x2];
	[bflag:$0x3] =	sbarrier.arrive $0xFFFF;
	s2 =	simm.s32 @!p0 $0x1C09  }
0x54: {  	[timem:s3], [sflag:s2] =	dma.local @!p0 [hbm:s0], s1  }
0x55: {  	s0 =	simm.s32 @!p0 $0x9  }
0x56: {  	_ =	swait.ge @!p0 [sflag:s0], s1  }
0x57: {  	s1 =	ssub.s32 @!p0 $0x0, s1;
	[sflag:s0] =	ssyncset.done @!p0 $0x0  }
0x58: {  	[sflag:s0] =	ssyncadd.s32 @!p0 s1  }
0x59: {  	[bflag:$0x3] =	sbarrier.arrive $0xFFFF  }
0x5a: {  	_ =	shalt  }

</sc_bundles>
